<compile_context>
chip_gen: v7x
topology: tpu7x:2x2x1
jax: 0.10.2.dev20260603
libtpu: 0.0.44.dev20260713+nightly
codegen_flags: <defaults>
</compile_context>

<pallas_src>
import functools

import jax
import jax.numpy as jnp
from jax import lax
from jax.experimental import pallas as pl
from jax.experimental.pallas import tpu as pltpu
from jax.experimental.pallas import tpu_sc as plsc

_LANES = 16
_NUM_CORES = 1
_NUM_SUBCORES = 16
_NUM_WORKERS = _NUM_CORES * _NUM_SUBCORES


@functools.partial(jax.jit, static_argnums=(0,))
def _positional_sum(total, s_flat, d_flat):
    chunk = -(-total // _NUM_WORKERS)
    chunk = -(-chunk // _LANES) * _LANES
    while total % chunk:
        chunk += _LANES
    used = total // chunk

    mesh = plsc.VectorSubcoreMesh(
        core_axis_name="c", subcore_axis_name="s", num_cores=_NUM_CORES
    )

    @functools.partial(
        pl.kernel,
        mesh=mesh,
        out_type=jax.ShapeDtypeStruct((total,), jnp.float32),
        scratch_types=[
            pltpu.VMEM((chunk,), jnp.float32),
            pltpu.VMEM((chunk,), jnp.float32),
            pltpu.SemaphoreType.DMA,
        ],
    )
    def sc_add(s_hbm, d_hbm, out_hbm, s_v, d_v, sem):
        wid = lax.axis_index("s") * _NUM_CORES + lax.axis_index("c")

        @pl.when(wid < used)
        def _():
            base = wid * chunk
            cp_s = pltpu.make_async_copy(s_hbm.at[pl.ds(base, chunk)], s_v, sem)
            cp_d = pltpu.make_async_copy(d_hbm.at[pl.ds(base, chunk)], d_v, sem)
            cp_s.start()
            cp_d.start()
            cp_s.wait()
            cp_d.wait()
            for i in range(chunk // _LANES):
                sl = pl.ds(i * _LANES, _LANES)
                s_v[sl] = s_v[sl] + d_v[sl]
            pltpu.sync_copy(s_v, out_hbm.at[pl.ds(base, chunk)])

    return sc_add(s_flat, d_flat)


def kernel(x, static_table, dynamic_table):
    seq_len = x.shape[1]
    d_model = static_table.shape[1]
    total = seq_len * d_model
    s_flat = static_table.reshape(-1)
    d_flat = dynamic_table.reshape(-1)
    out = _positional_sum(total, s_flat, d_flat)
    return out.reshape(1, seq_len, d_model)

# --- scband reference (transcript-rebuilt; emitter-appended) ---
"""Pipeline reference for scband-enhanced-positional-37391985279295 (READ-ONLY COPY).

The authoritative reference and input builder live on the scoring server;
editing this copy changes nothing except your own understanding.
"""

import jax, jax.numpy as jnp
import numpy as np

VOCAB_SIZE = 26
D_MODEL = 120


def get_sinusoid_encoding_table(n_position, d_model):
    pos = np.arange(n_position, dtype=np.float64)[:, None]
    hid = np.arange(d_model, dtype=np.float64)[None, :]
    table = pos / np.power(10000.0, 2.0 * (np.floor(hid / 2.0)) / d_model)
    table[:, 0::2] = np.sin(table[:, 0::2])
    table[:, 1::2] = np.cos(table[:, 1::2])
    return jnp.asarray(table, dtype=jnp.float32)


def setup_inputs(seed: int = 0) -> dict:
    key = jax.random.key(seed)
    k1, k2 = jax.random.split(key)
    x = jax.random.randint(k1, (16384, 20), 0, VOCAB_SIZE, dtype=jnp.int32)
    static_table = get_sinusoid_encoding_table(VOCAB_SIZE, D_MODEL)
    # dynamic nn.Embedding default init: N(0, 1)
    dynamic_table = jax.random.normal(k2, (VOCAB_SIZE, D_MODEL), dtype=jnp.float32)
    return {"x": x, "static_table": static_table, "dynamic_table": dynamic_table}


def reference(x, static_table, dynamic_table):
    seq_len = x.shape[1]
    positions = jnp.arange(seq_len)[None, :]  # [1, L]
    static_emb = jnp.take(static_table, positions, axis=0)   # [1, L, d_model]
    dynamic_emb = jnp.take(dynamic_table, positions, axis=0)  # [1, L, d_model]
    return static_emb + dynamic_emb

if __name__ == "__main__":
    import jax
    _d = setup_inputs()
    print(jax.jit(kernel)(*tuple(_d.values())))

</pallas_src>

<mosaic_0001>
#map = affine_map<(d0, d1) -> (0)>
module attributes {stable_mosaic.version = 14 : i64} {
  func.func @sc_add(%arg0: i32, %arg1: i32, %arg2: memref<3120xf32, #tpu.memory_space<hbm>>, %arg3: memref<3120xf32, #tpu.memory_space<hbm>>, %arg4: memref<2400xf32, #tpu.memory_space<hbm>>, %arg5: memref<160xf32, #tpu.memory_space<vmem>>, %arg6: memref<160xf32, #tpu.memory_space<vmem>>, %arg7: memref<!tpu.dma_semaphore, #tpu.memory_space<semaphore_mem>>) attributes {dimension_semantics = [#tpu.dimension_semantics<core_parallel>, #tpu.dimension_semantics<subcore_parallel>], iteration_bounds = array<i64: 1, 16>, scalar_prefetch = 0 : i64, scratch_operands = 3 : i64, tpu.core_type = #tpu.core_type<sc_vector_subcore>, window_params = [{transform_indices = #map}, {transform_indices = #map}, {transform_indices = #map}]} {
    %mul3A = arith.constant 1 : i32
    %mul3A_0 = arith.muli %arg1, %mul3A : i32
    %add3A = arith.addi %mul3A_0, %arg0 : i32
    %lt3A = arith.constant 15 : i32
    %lt3A_1 = arith.cmpi slt, %add3A, %lt3A : i32
    %convert_element_type3A = arith.extui %lt3A_1 : i1 to i32
    %cond3A = arith.constant 0 : i32
    %cond3A_2 = arith.cmpi ne, %convert_element_type3A, %cond3A : i32
    scf.if %cond3A_2 {
      %mul3A_3 = arith.constant 160 : i32
      %mul3A_4 = arith.muli %add3A, %mul3A_3 : i32
      %dma_start3A = tpu.memref_slice %arg2[%mul3A_4] : memref<3120xf32, #tpu.memory_space<hbm>> -> memref<160xf32, #tpu.memory_space<hbm>>
      %dma_start3A_5 = tpu.memref_slice %arg2[%mul3A_4] : memref<3120xf32, #tpu.memory_space<hbm>> -> memref<160xf32, #tpu.memory_space<hbm>>
      tpu.enqueue_dma source(%dma_start3A_5 : memref<160xf32, #tpu.memory_space<hbm>>) target(%arg5 : memref<160xf32, #tpu.memory_space<vmem>>) target_semaphore(%arg7 : memref<!tpu.dma_semaphore, #tpu.memory_space<semaphore_mem>>)
      %dma_start3A_6 = tpu.memref_slice %arg3[%mul3A_4] : memref<3120xf32, #tpu.memory_space<hbm>> -> memref<160xf32, #tpu.memory_space<hbm>>
      %dma_start3A_7 = tpu.memref_slice %arg3[%mul3A_4] : memref<3120xf32, #tpu.memory_space<hbm>> -> memref<160xf32, #tpu.memory_space<hbm>>
      tpu.enqueue_dma source(%dma_start3A_7 : memref<160xf32, #tpu.memory_space<hbm>>) target(%arg6 : memref<160xf32, #tpu.memory_space<vmem>>) target_semaphore(%arg7 : memref<!tpu.dma_semaphore, #tpu.memory_space<semaphore_mem>>)
      %dma_wait3A = tpu.memref_slice %arg2[%mul3A_4] : memref<3120xf32, #tpu.memory_space<hbm>> -> memref<160xf32, #tpu.memory_space<hbm>>
      %dma_wait3A_8 = tpu.memref_slice %arg2[%mul3A_4] : memref<3120xf32, #tpu.memory_space<hbm>> -> memref<160xf32, #tpu.memory_space<hbm>>
      tpu.wait_dma2 semaphore(%arg7 : memref<!tpu.dma_semaphore, #tpu.memory_space<semaphore_mem>>) src(%dma_wait3A_8 : memref<160xf32, #tpu.memory_space<hbm>>) dst(%arg5 : memref<160xf32, #tpu.memory_space<vmem>>)
      %dma_wait3A_9 = tpu.memref_slice %arg3[%mul3A_4] : memref<3120xf32, #tpu.memory_space<hbm>> -> memref<160xf32, #tpu.memory_space<hbm>>
      %dma_wait3A_10 = tpu.memref_slice %arg3[%mul3A_4] : memref<3120xf32, #tpu.memory_space<hbm>> -> memref<160xf32, #tpu.memory_space<hbm>>
      tpu.wait_dma2 semaphore(%arg7 : memref<!tpu.dma_semaphore, #tpu.memory_space<semaphore_mem>>) src(%dma_wait3A_10 : memref<160xf32, #tpu.memory_space<hbm>>) dst(%arg6 : memref<160xf32, #tpu.memory_space<vmem>>)
      %get3A = arith.constant 0 : index
      %get3A_11 = tpu.vector_load %arg5[%get3A] {strides = array<i32>} : memref<160xf32, #tpu.memory_space<vmem>>, vector<16xf32>,
      %get3A_12 = vector.shape_cast %get3A_11 : vector<16xf32> to vector<16xf32>
      %get3A_13 = arith.constant 0 : index
      %get3A_14 = tpu.vector_load %arg6[%get3A_13] {strides = array<i32>} : memref<160xf32, #tpu.memory_space<vmem>>, vector<16xf32>,
      %get3A_15 = vector.shape_cast %get3A_14 : vector<16xf32> to vector<16xf32>
      %add3A_16 = arith.addf %get3A_12, %get3A_15 : vector<16xf32>
      %swap3A = arith.constant 0 : index
      %swap3A_17 = tpu.vector_load %arg5[%swap3A] {strides = array<i32>} : memref<160xf32, #tpu.memory_space<vmem>>, vector<16xf32>,
      %swap3A_18 = vector.shape_cast %swap3A_17 : vector<16xf32> to vector<16xf32>
      %swap3A_19 = vector.shape_cast %add3A_16 : vector<16xf32> to vector<16xf32>
      tpu.vector_store %arg5[%swap3A], %swap3A_19 {strides = array<i32>} : memref<160xf32, #tpu.memory_space<vmem>>, vector<16xf32>,
      %get3A_20 = arith.constant 16 : index
      %get3A_21 = tpu.vector_load %arg5[%get3A_20] {strides = array<i32>} : memref<160xf32, #tpu.memory_space<vmem>>, vector<16xf32>,
      %get3A_22 = vector.shape_cast %get3A_21 : vector<16xf32> to vector<16xf32>
      %get3A_23 = arith.constant 16 : index
      %get3A_24 = tpu.vector_load %arg6[%get3A_23] {strides = array<i32>} : memref<160xf32, #tpu.memory_space<vmem>>, vector<16xf32>,
      %get3A_25 = vector.shape_cast %get3A_24 : vector<16xf32> to vector<16xf32>
      %add3A_26 = arith.addf %get3A_22, %get3A_25 : vector<16xf32>
      %swap3A_27 = arith.constant 16 : index
      %swap3A_28 = tpu.vector_load %arg5[%swap3A_27] {strides = array<i32>} : memref<160xf32, #tpu.memory_space<vmem>>, vector<16xf32>,
      %swap3A_29 = vector.shape_cast %swap3A_28 : vector<16xf32> to vector<16xf32>
      %swap3A_30 = vector.shape_cast %add3A_26 : vector<16xf32> to vector<16xf32>
      tpu.vector_store %arg5[%swap3A_27], %swap3A_30 {strides = array<i32>} : memref<160xf32, #tpu.memory_space<vmem>>, vector<16xf32>,
      %get3A_31 = arith.constant 32 : index
      %get3A_32 = tpu.vector_load %arg5[%get3A_31] {strides = array<i32>} : memref<160xf32, #tpu.memory_space<vmem>>, vector<16xf32>,
      %get3A_33 = vector.shape_cast %get3A_32 : vector<16xf32> to vector<16xf32>
      %get3A_34 = arith.constant 32 : index
      %get3A_35 = tpu.vector_load %arg6[%get3A_34] {strides = array<i32>} : memref<160xf32, #tpu.memory_space<vmem>>, vector<16xf32>,
      %get3A_36 = vector.shape_cast %get3A_35 : vector<16xf32> to vector<16xf32>
      %add3A_37 = arith.addf %get3A_33, %get3A_36 : vector<16xf32>
      %swap3A_38 = arith.constant 32 : index
      %swap3A_39 = tpu.vector_load %arg5[%swap3A_38] {strides = array<i32>} : memref<160xf32, #tpu.memory_space<vmem>>, vector<16xf32>,
      %swap3A_40 = vector.shape_cast %swap3A_39 : vector<16xf32> to vector<16xf32>
      %swap3A_41 = vector.shape_cast %add3A_37 : vector<16xf32> to vector<16xf32>
      tpu.vector_store %arg5[%swap3A_38], %swap3A_41 {strides = array<i32>} : memref<160xf32, #tpu.memory_space<vmem>>, vector<16xf32>,
      %get3A_42 = arith.constant 48 : index
      %get3A_43 = tpu.vector_load %arg5[%get3A_42] {strides = array<i32>} : memref<160xf32, #tpu.memory_space<vmem>>, vector<16xf32>,
      %get3A_44 = vector.shape_cast %get3A_43 : vector<16xf32> to vector<16xf32>
      %get3A_45 = arith.constant 48 : index
      %get3A_46 = tpu.vector_load %arg6[%get3A_45] {strides = array<i32>} : memref<160xf32, #tpu.memory_space<vmem>>, vector<16xf32>,
      %get3A_47 = vector.shape_cast %get3A_46 : vector<16xf32> to vector<16xf32>
      %add3A_48 = arith.addf %get3A_44, %get3A_47 : vector<16xf32>
      %swap3A_49 = arith.constant 48 : index
      %swap3A_50 = tpu.vector_load %arg5[%swap3A_49] {strides = array<i32>} : memref<160xf32, #tpu.memory_space<vmem>>, vector<16xf32>,
      %swap3A_51 = vector.shape_cast %swap3A_50 : vector<16xf32> to vector<16xf32>
      %swap3A_52 = vector.shape_cast %add3A_48 : vector<16xf32> to vector<16xf32>
      tpu.vector_store %arg5[%swap3A_49], %swap3A_52 {strides = array<i32>} : memref<160xf32, #tpu.memory_space<vmem>>, vector<16xf32>,
      %get3A_53 = arith.constant 64 : index
      %get3A_54 = tpu.vector_load %arg5[%get3A_53] {strides = array<i32>} : memref<160xf32, #tpu.memory_space<vmem>>, vector<16xf32>,
      %get3A_55 = vector.shape_cast %get3A_54 : vector<16xf32> to vector<16xf32>
      %get3A_56 = arith.constant 64 : index
      %get3A_57 = tpu.vector_load %arg6[%get3A_56] {strides = array<i32>} : memref<160xf32, #tpu.memory_space<vmem>>, vector<16xf32>,
      %get3A_58 = vector.shape_cast %get3A_57 : vector<16xf32> to vector<16xf32>
      %add3A_59 = arith.addf %get3A_55, %get3A_58 : vector<16xf32>
      %swap3A_60 = arith.constant 64 : index
      %swap3A_61 = tpu.vector_load %arg5[%swap3A_60] {strides = array<i32>} : memref<160xf32, #tpu.memory_space<vmem>>, vector<16xf32>,
      %swap3A_62 = vector.shape_cast %swap3A_61 : vector<16xf32> to vector<16xf32>
      %swap3A_63 = vector.shape_cast %add3A_59 : vector<16xf32> to vector<16xf32>
      tpu.vector_store %arg5[%swap3A_60], %swap3A_63 {strides = array<i32>} : memref<160xf32, #tpu.memory_space<vmem>>, vector<16xf32>,
      %get3A_64 = arith.constant 80 : index
      %get3A_65 = tpu.vector_load %arg5[%get3A_64] {strides = array<i32>} : memref<160xf32, #tpu.memory_space<vmem>>, vector<16xf32>,
      %get3A_66 = vector.shape_cast %get3A_65 : vector<16xf32> to vector<16xf32>
      %get3A_67 = arith.constant 80 : index
      %get3A_68 = tpu.vector_load %arg6[%get3A_67] {strides = array<i32>} : memref<160xf32, #tpu.memory_space<vmem>>, vector<16xf32>,
      %get3A_69 = vector.shape_cast %get3A_68 : vector<16xf32> to vector<16xf32>
      %add3A_70 = arith.addf %get3A_66, %get3A_69 : vector<16xf32>
      %swap3A_71 = arith.constant 80 : index
      %swap3A_72 = tpu.vector_load %arg5[%swap3A_71] {strides = array<i32>} : memref<160xf32, #tpu.memory_space<vmem>>, vector<16xf32>,
      %swap3A_73 = vector.shape_cast %swap3A_72 : vector<16xf32> to vector<16xf32>
      %swap3A_74 = vector.shape_cast %add3A_70 : vector<16xf32> to vector<16xf32>
      tpu.vector_store %arg5[%swap3A_71], %swap3A_74 {strides = array<i32>} : memref<160xf32, #tpu.memory_space<vmem>>, vector<16xf32>,
      %get3A_75 = arith.constant 96 : index
      %get3A_76 = tpu.vector_load %arg5[%get3A_75] {strides = array<i32>} : memref<160xf32, #tpu.memory_space<vmem>>, vector<16xf32>,
      %get3A_77 = vector.shape_cast %get3A_76 : vector<16xf32> to vector<16xf32>
      %get3A_78 = arith.constant 96 : index
      %get3A_79 = tpu.vector_load %arg6[%get3A_78] {strides = array<i32>} : memref<160xf32, #tpu.memory_space<vmem>>, vector<16xf32>,
      %get3A_80 = vector.shape_cast %get3A_79 : vector<16xf32> to vector<16xf32>
      %add3A_81 = arith.addf %get3A_77, %get3A_80 : vector<16xf32>
      %swap3A_82 = arith.constant 96 : index
      %swap3A_83 = tpu.vector_load %arg5[%swap3A_82] {strides = array<i32>} : memref<160xf32, #tpu.memory_space<vmem>>, vector<16xf32>,
      %swap3A_84 = vector.shape_cast %swap3A_83 : vector<16xf32> to vector<16xf32>
      %swap3A_85 = vector.shape_cast %add3A_81 : vector<16xf32> to vector<16xf32>
      tpu.vector_store %arg5[%swap3A_82], %swap3A_85 {strides = array<i32>} : memref<160xf32, #tpu.memory_space<vmem>>, vector<16xf32>,
      %get3A_86 = arith.constant 112 : index
      %get3A_87 = tpu.vector_load %arg5[%get3A_86] {strides = array<i32>} : memref<160xf32, #tpu.memory_space<vmem>>, vector<16xf32>,
      %get3A_88 = vector.shape_cast %get3A_87 : vector<16xf32> to vector<16xf32>
      %get3A_89 = arith.constant 112 : index
      %get3A_90 = tpu.vector_load %arg6[%get3A_89] {strides = array<i32>} : memref<160xf32, #tpu.memory_space<vmem>>, vector<16xf32>,
      %get3A_91 = vector.shape_cast %get3A_90 : vector<16xf32> to vector<16xf32>
      %add3A_92 = arith.addf %get3A_88, %get3A_91 : vector<16xf32>
      %swap3A_93 = arith.constant 112 : index
      %swap3A_94 = tpu.vector_load %arg5[%swap3A_93] {strides = array<i32>} : memref<160xf32, #tpu.memory_space<vmem>>, vector<16xf32>,
      %swap3A_95 = vector.shape_cast %swap3A_94 : vector<16xf32> to vector<16xf32>
      %swap3A_96 = vector.shape_cast %add3A_92 : vector<16xf32> to vector<16xf32>
      tpu.vector_store %arg5[%swap3A_93], %swap3A_96 {strides = array<i32>} : memref<160xf32, #tpu.memory_space<vmem>>, vector<16xf32>,
      %get3A_97 = arith.constant 128 : index
      %get3A_98 = tpu.vector_load %arg5[%get3A_97] {strides = array<i32>} : memref<160xf32, #tpu.memory_space<vmem>>, vector<16xf32>,
      %get3A_99 = vector.shape_cast %get3A_98 : vector<16xf32> to vector<16xf32>
      %get3A_100 = arith.constant 128 : index
      %get3A_101 = tpu.vector_load %arg6[%get3A_100] {strides = array<i32>} : memref<160xf32, #tpu.memory_space<vmem>>, vector<16xf32>,
      %get3A_102 = vector.shape_cast %get3A_101 : vector<16xf32> to vector<16xf32>
      %add3A_103 = arith.addf %get3A_99, %get3A_102 : vector<16xf32>
      %swap3A_104 = arith.constant 128 : index
      %swap3A_105 = tpu.vector_load %arg5[%swap3A_104] {strides = array<i32>} : memref<160xf32, #tpu.memory_space<vmem>>, vector<16xf32>,
      %swap3A_106 = vector.shape_cast %swap3A_105 : vector<16xf32> to vector<16xf32>
      %swap3A_107 = vector.shape_cast %add3A_103 : vector<16xf32> to vector<16xf32>
      tpu.vector_store %arg5[%swap3A_104], %swap3A_107 {strides = array<i32>} : memref<160xf32, #tpu.memory_space<vmem>>, vector<16xf32>,
      %get3A_108 = arith.constant 144 : index
      %get3A_109 = tpu.vector_load %arg5[%get3A_108] {strides = array<i32>} : memref<160xf32, #tpu.memory_space<vmem>>, vector<16xf32>,
      %get3A_110 = vector.shape_cast %get3A_109 : vector<16xf32> to vector<16xf32>
      %get3A_111 = arith.constant 144 : index
      %get3A_112 = tpu.vector_load %arg6[%get3A_111] {strides = array<i32>} : memref<160xf32, #tpu.memory_space<vmem>>, vector<16xf32>,
      %get3A_113 = vector.shape_cast %get3A_112 : vector<16xf32> to vector<16xf32>
      %add3A_114 = arith.addf %get3A_110, %get3A_113 : vector<16xf32>
      %swap3A_115 = arith.constant 144 : index
      %swap3A_116 = tpu.vector_load %arg5[%swap3A_115] {strides = array<i32>} : memref<160xf32, #tpu.memory_space<vmem>>, vector<16xf32>,
      %swap3A_117 = vector.shape_cast %swap3A_116 : vector<16xf32> to vector<16xf32>
      %swap3A_118 = vector.shape_cast %add3A_114 : vector<16xf32> to vector<16xf32>
      tpu.vector_store %arg5[%swap3A_115], %swap3A_118 {strides = array<i32>} : memref<160xf32, #tpu.memory_space<vmem>>, vector<16xf32>,
      "tpu.region"() ({
        %run_scoped3A = tpu.sem_alloc : memref<!tpu.dma_semaphore, #tpu.memory_space<semaphore_mem>>
        %dma_start3A_119 = tpu.memref_slice %arg4[%mul3A_4] : memref<2400xf32, #tpu.memory_space<hbm>> -> memref<160xf32, #tpu.memory_space<hbm>>
        %dma_start3A_120 = tpu.memref_slice %arg4[%mul3A_4] : memref<2400xf32, #tpu.memory_space<hbm>> -> memref<160xf32, #tpu.memory_space<hbm>>
        tpu.enqueue_dma source(%arg5 : memref<160xf32, #tpu.memory_space<vmem>>) target(%dma_start3A_120 : memref<160xf32, #tpu.memory_space<hbm>>) target_semaphore(%run_scoped3A : memref<!tpu.dma_semaphore, #tpu.memory_space<semaphore_mem>>)
        %dma_wait3A_121 = tpu.memref_slice %arg4[%mul3A_4] : memref<2400xf32, #tpu.memory_space<hbm>> -> memref<160xf32, #tpu.memory_space<hbm>>
        %dma_wait3A_122 = tpu.memref_slice %arg4[%mul3A_4] : memref<2400xf32, #tpu.memory_space<hbm>> -> memref<160xf32, #tpu.memory_space<hbm>>
        tpu.wait_dma2 semaphore(%run_scoped3A : memref<!tpu.dma_semaphore, #tpu.memory_space<semaphore_mem>>) src(%arg5 : memref<160xf32, #tpu.memory_space<vmem>>) dst(%dma_wait3A_122 : memref<160xf32, #tpu.memory_space<hbm>>)
        tpu.yield
      }) : () -> ()
    } else {
    }
    return
  }
}

</mosaic_0001>

<sc_bundles>
// kernel: _positional_sum.3.cloned.1.call-start
scs
__scs_entry_jumppad:
0x0: {  	(pc) =	sbr.rel $0x88, $3  }
0x1: {  	(tag) =	ssettag $0x0;
	lr =	simm.s32 $0x1  }
0x2: {  	[smem:$0x3F9F] =	sst lr;
	_ =	strace $0xD0000000  }
0x3: {  	_ = 	snop  }
0x4: {  	_ = 	snop  }
0x5: {  	_ = 	snop  }
0x6: {  	_ = 	snop  }
0x7: {  	_ = 	snop  }
__scs_overlays_trampoline_lowered:
0x8: {  	[smem:$0x3FAE] =	sst s0  }
0x9: {  	[smem:$0x3FAF] =	sst s1  }
0xa: {  	[smem:$0x3FB0] =	sst s2  }
0xb: {  	[smem:$0x3FB1] =	sst s3  }
0xc: {  	[smem:$0x3FB2] =	sst s4  }
0xd: {  	[smem:$0x3FB3] =	sst s5  }
0xe: {  	[smem:$0x3FB4] =	sst s6  }
0xf: {  	[smem:$0x3FB5] =	sst s7  }
0x10: {  	[smem:$0x3FB6] =	sst s8  }
0x11: {  	[smem:$0x3FB7] =	sst s9;
	s0 =	simm.s32 @!p0 $0x0  }
0x12: {  	s1 =	sld [smem:$0x3F9D];
	s0 =	simm.s32 @p0 $0x1  }
0x13: {  	[smem:$0x3FB8] =	sst s0;
	s0 =	simm.s32 @!p1 $0x0  }
0x14: {  	s2 =	sld [smem:$0x3F9C];
	s0 =	simm.s32 @p1 $0x1  }
0x15: {  	[smem:$0x3FB9] =	sst s0;
	s0 =	simm.s32 @!p2 $0x0  }
0x16: {  	s3 =	sld [smem:$0x3FDB];
	s0 =	simm.s32 @p2 $0x1  }
0x17: {  	s4 =	simm.s32 $0x1BF5;
	[smem:$0x3FBB] =	sst s0  }
0x18: {  	s0 =	sld [smem:$0x3F9E];
	_ =	swait.ge [sflag:s4], $0x0  }
0x19: {  	s7 =	sld [smem:$0x3F9F]  }
0x1a: {  	s8 =	sadd.s32 $0xFFFFE003, lr  }
0x1b: {  	s9 =	sadd.s32 $0xFFFFFEF7, lr;
	s5 =	simm.s32 $0xFFFFFFFF;
	p2 =	slt.u32 s8, $0xFFFFF086  }
0x1c: {  	p1 =	slt.u32 s9, $0xF7A;
	s5 =	simm.s32 @!p2 $0x0  }
0x1d: {  	s5 =	simm.s32 @p1 $0x1;
	p0 =	seq.s32 s7, s2  }
0x1e: {  	s7 =	smul.u32 @!p0 $0xF7A, s2;
	p2 =	seq.s32 @!p0 s5, $0x0  }
0x1f: {  	s9 =	smul.u32 $0xF7A, s1;
	s8 =	simm.s32 @!p0 $0x1BF5;
	p2 =	por !p2, p0  }
0x20: {  	[sflag:s8] =	ssyncset.s32 @!p0 $0xFFFFF086;
	s6 =	sadd.s32 @!p0 s3, s7;
	s7 =	simm.s32 @!p0 $0x108  }
0x21: {  	s3 =	sadd.s32 s3, s9;
	s6 =	sadd.s32 @!p0 $0x88, s6;
	s7 =	simm.s32 @p2 $0x1082  }
0x22: {  	[simem:s7], [sflag:s8] =	dma.local @!p0 [hbm:s6], $0xF7A  }
0x23: {  	s9 =	sor.u32 $0xD0000000, s2;
	s6 =	simm.s32 $0x108;
	_ =	swait.ge @!p0 [sflag:s8], $0x0  }
0x24: {  	s3 =	sadd.s32 $0x88, s3;
	s6 =	simm.s32 @!p1 $0x1082;
	[sflag:s4] =	ssyncset.s32 $0xFFFFF086  }
0x25: {  	[simem:s6], [sflag:s4] =	dma.local [hbm:s3], $0xF7A  }
0x26: {  	[smem:$0x3F9F] =	sst s1;
	(tag) =	ssettag s2;
	_ =	strace s9  }
0x27: {  	s1 =	sld [smem:$0x3FAF]  }
0x28: {  	s2 =	sld [smem:$0x3FB0]  }
0x29: {  	s4 =	sld [smem:$0x3FB2]  }
0x2a: {  	p0 =	seq.s32 s5, $0x0;
	s5 =	sld [smem:$0x3FB3]  }
0x2b: {  	s6 =	sld [smem:$0x3FB4]  }
0x2c: {  	s7 =	sld [smem:$0x3FB5]  }
0x2d: {  	s3 =	simm.s32 $0x108;
	s8 =	sld [smem:$0x3FB6]  }
0x2e: {  	s3 =	simm.s32 @!p0 $0x1082;
	s9 =	sld [smem:$0x3FB7]  }
0x2f: {  	lr =	sadd.s32 s0, s3;
	s0 =	sld [smem:$0x3FAE]  }
0x30: {  	s3 =	sld [smem:$0x3FB1]  }
0x31: {  	[smem:$0x3FBA] =	sst s10  }
0x32: {  	s10 =	sld [smem:$0x3FB8];
	_ =	sdelay $0x3  }
0x33: {  	p0 =	seq.s32 s10, $0x1;
	s10 =	sld [smem:$0x3FBA];
	_ =	sdelay $0x3  }
0x34: {  	[smem:$0x3FBA] =	sst s10  }
0x35: {  	s10 =	sld [smem:$0x3FB9];
	_ =	sdelay $0x3  }
0x36: {  	p1 =	seq.s32 s10, $0x1;
	s10 =	sld [smem:$0x3FBA];
	_ =	sdelay $0x3  }
0x37: {  	[smem:$0x3FBA] =	sst s10  }
0x38: {  	s10 =	sld [smem:$0x3FBB]  }
0x39: {  	_ = 	snop;
	(pc) =	sbr.ind lr, $3  }
0x3a: {  	_ = 	snop  }
0x3b: {  	_ = 	snop  }
0x3c: {  	p2 =	seq.s32 s10, $0x1;
	s10 =	sld [smem:$0x3FBA]  }
0x3d: {  	_ =	shalt  }
0x3e: {  	_ =	shalt  }
0x3f: {  	_ =	shalt  }
0x40: {  	_ =	shalt  }
0x41: {  	_ =	shalt  }
0x42: {  	_ =	shalt  }
0x43: {  	_ =	shalt  }
0x44: {  	_ =	shalt  }
0x45: {  	_ =	shalt  }
0x46: {  	_ =	shalt  }
0x47: {  	_ =	shalt  }
0x48: {  	_ =	shalt  }
0x49: {  	_ =	shalt  }
0x4a: {  	_ =	shalt  }
0x4b: {  	_ =	shalt  }
0x4c: {  	_ =	shalt  }
0x4d: {  	_ =	shalt  }
0x4e: {  	_ =	shalt  }
0x4f: {  	_ =	shalt  }
0x50: {  	_ =	shalt  }
0x51: {  	_ =	shalt  }
0x52: {  	_ =	shalt  }
0x53: {  	_ =	shalt  }
0x54: {  	_ =	shalt  }
0x55: {  	_ =	shalt  }
0x56: {  	_ =	shalt  }
0x57: {  	_ =	shalt  }
0x58: {  	_ =	shalt  }
0x59: {  	_ =	shalt  }
0x5a: {  	_ =	shalt  }
0x5b: {  	_ =	shalt  }
0x5c: {  	_ =	shalt  }
0x5d: {  	_ =	shalt  }
0x5e: {  	_ =	shalt  }
0x5f: {  	_ =	shalt  }
0x60: {  	_ =	shalt  }
0x61: {  	_ =	shalt  }
0x62: {  	_ =	shalt  }
0x63: {  	_ =	shalt  }
0x64: {  	_ =	shalt  }
0x65: {  	_ =	shalt  }
0x66: {  	_ =	shalt  }
0x67: {  	_ =	shalt  }
0x68: {  	_ =	shalt  }
0x69: {  	_ =	shalt  }
0x6a: {  	_ =	shalt  }
0x6b: {  	_ =	shalt  }
0x6c: {  	_ =	shalt  }
0x6d: {  	_ =	shalt  }
0x6e: {  	_ =	shalt  }
0x6f: {  	_ =	shalt  }
0x70: {  	_ =	shalt  }
0x71: {  	_ =	shalt  }
0x72: {  	_ =	shalt  }
0x73: {  	_ =	shalt  }
0x74: {  	_ =	shalt  }
0x75: {  	_ =	shalt  }
0x76: {  	_ =	shalt  }
0x77: {  	_ =	shalt  }
0x78: {  	_ =	shalt  }
0x79: {  	_ =	shalt  }
0x7a: {  	_ =	shalt  }
0x7b: {  	_ =	shalt  }
0x7c: {  	_ =	shalt  }
0x7d: {  	_ =	shalt  }
0x7e: {  	_ =	shalt  }
0x7f: {  	_ =	shalt  }
0x80: {  	_ =	shalt  }
0x81: {  	_ =	shalt  }
0x82: {  	_ =	shalt  }
0x83: {  	_ =	shalt  }
0x84: {  	_ =	shalt  }
0x85: {  	_ =	shalt  }
0x86: {  	_ =	shalt  }
0x87: {  	_ =	shalt  }
.Lfunc_end0:
.L_simem_size_0:
called_computation_lowered:
.L_overlay_start_0:
0x88: {  	s0 =	sld [smem:$0x3FD9]  }
0x89: {  	s1 =	sld [smem:$0x3FFE];
	_ =	sdelay $0x3  }
0x8a: {  	s0 =	sadd.s32 s1, s0  }
0x8b: {  	[smem:$0x3FC6] =	sst s0  }
0x8c: {  	_ = 	snop  }
0x8d: {  	s0 =	sld [smem:$0x3FC9]  }
0x8e: {  	s17 =	sld [smem:$0x3FC8]  }
0x8f: {  	s2 =	sld [smem:$0x3FD0];
	(tm) =	ssettm $0x1  }
0x90: {  	s3 =	sld [smem:$0x3FFB];
	_ =	sdelay $0x3  }
0x91: {  	_ =	strace s3  }
0x92: {  	s3 =	sld [smem:$0x3FFC];
	_ =	sdelay $0x3  }
0x93: {  	_ =	strace s3  }
0x94: {  	s3 =	sld [smem:$0x3FFD];
	_ =	sdelay $0x3  }
0x95: {  	_ =	strace s3  }
0x96: {  	_ =	strace $0x8FFFFFFF  }
0x97: {  	s18 =	sld [smem:$0x3FDB];
	_ =	sdelay $0x1  }
0x98: {  	s4 =	simm.s32 $_scs_section_size  }
0x99: {  	s5 =	simm.s32 $_size__tile_overlayer_lowered;
	s6 =	simm.s32 $_tile_overlayer_lowered  }
0x9a: {  	s21 =	simm.s32 $0x1BFF;
	s20 =	sshll.u32 s6, $0x1;
	s3 =	sadd.s32 s4, s18  }
0x9b: {  	s7 =	simm.s32 $0x0;
	s19 =	sshll.u32 s5, $0x1;
	s5 =	sadd.s32 s20, s3  }
0x9c: {  	[timem:s7], [sflag:s21] =	dma.local [hbm:s5], s19  }
0x9d: {  	_ =	swait.ge [sflag:s21], s19  }
0x9e: {  	s4 =	ssub.s32 $0x0, s19;
	[sflag:s21] =	ssyncset.done $0x0  }
0x9f: {  	[sflag:s21] =	ssyncadd.s32 s4;
	_ =	sdelay $0x1  }
0xa0: {  	s22 =	simm.s32 $0x1B8B  }
0xa1: {  	_ =	swait.ge [sflag:s22], $0x1  }
0xa2: {  	[sflag:s22] =	ssyncset.done $0x0  }
0xa3: {  	s23 =	simm.s32 $0x1B8E;
	[sflag:s22] =	ssyncadd.s32 $0xFFFFFFFF  }
0xa4: {  	s24 =	simm.s32 $execute0_lowered;
	[smem:$0x3FD2] =	sst s23  }
0xa5: {  	s4 =	sshll.u32 s24, $0x1;
	_ =	strace $0x80000046;
	[dreg:$0x1] =	wrdreg $0xFFFFFFFF  }
0xa6: {  	s25 =	simm.s32 $_size_execute0_lowered;
	s3 =	sadd.s32 s3, s4;
	[dreg:$0x0] =	wrdreg $0x0  }
0xa7: {  	s4 =	sshll.u32 s25, $0x1;
	[dreg:$0x2] =	wrdreg s3  }
0xa8: {  	[dreg:$0x3] =	wrdreg s4  }
0xa9: {  	[dreg:$0x4] =	wrdreg $0xC0  }
0xaa: {  	_ =	task [dreg:s7], $0x5FFFF  }
0xab: {  	[dreg:$0x1] =	wrdreg $0xFFFFFFFF  }
0xac: {  	[dreg:$0x0] =	wrdreg $0x60  }
0xad: {  	[dreg:$0x2] =	wrdreg s0  }
0xae: {  	[dreg:$0x3] =	wrdreg s17  }
0xaf: {  	[dreg:$0x4] =	wrdreg s2  }
0xb0: {  	[dreg:$0x5] =	wrdreg $0x9  }
0xb1: {  	_ =	task.clear_ibuf [dreg:s7], $0x6FFFF;
	_ =	strace $0x90000046  }
0xb2: {  	s26 =	simm.s32 $0x9;
	_ =	strace $0x80000048  }
0xb3: {  	_ =	swait.ge [sflag:s26], $0x1  }
0xb4: {  	[sflag:s26] =	ssyncadd.s32 $0xFFFFFFFF  }
0xb5: {  	_ =	strace $0x90000048  }
0xb6: {  	_ =	sfence  }
0xb7: {  	s28 =	sld [smem:$0x0];
	_ =	sdelay $0x1  }
0xb8: {  	s29 =	srdreg.scid  }
0xb9: {  	s30 =	sshll.u32 s29, $0xD;
	s31 =	sshrl.u32 s29, $0x2  }
0xba: {  	s1 =	sand.u32 $0x1, s29;
	s2 =	sand.u32 $0x4000, s30;
	s0 =	sadd.s32 s31, s28  }
0xbb: {  	s1 =	sor.u32 s2, s1;
	s0 =	sshll.u32 s0, $0x11  }
0xbc: {  	s0 =	sor.u32 s0, s1  }
0xbd: {  	s0 =	sadd.s32 $0x8F2B, s0  }
0xbe: {  	[sflag:s0] =	ssyncadd.remote.s32 $0x1  }
0xbf: {  	_ =	sfence.sel $0xFFFF  }
0xc0: {  	[dreg:$0x0] =	wrdreg $0xFFFFFFFF;
	(pc) =	sbr.abs _section_cstart, $3  }
0xc1: {  	[dreg:$0x1] =	wrdreg $0xFFFFFFFF  }
0xc2: {  	_ =	task.clear_ibuf [dreg:s7], $0x2FFFF;
	_ =	strace $0x9FFFFFFF  }
0xc3: {  	(tm) =	ssettm $0x7FFFFFFF  }
tec
execute0_lowered:
.L_overlay_start_1:
0x0: {  	(tag) =	ssettag $0x1  }
0x1: {  	s2 =	rddreg [dreg:$0x0]  }
0x2: {  	s3 =	rddreg [dreg:$0x1];
	s0 =	stileid.u32  }
0x3: {  	s4 =	rddreg [dreg:$0x2];
	p0 =	seq.s32 s0, $0xF  }
0x4: {  	s1 =	rddreg [dreg:$0x3];
	s5 =	simm.s32 $0x0;
	s6 =	smul.u32 @!p0 $0x14, s0  }
0x5: {  	[smem:$0x7FF] =	sst s5  }
0x6: {  	_ =	strace $0x80000047;
	s5 =	simm.s32 @!p0 $0x0;
	s2 =	sadd.s32 @!p0 s2, s6  }
0x7: {  	[tilespmem:s5], [sflag:$0x1] =	stream.linear.gather @!p0 [hbm4b:s2+s5], $0xA0, $0x38;
	[tilespmem:$0x200] =	vst v63  }
0x8: {  	s2 =	sadd.s32 @!p0 s3, s6;
	s3 =	simm.s32 @!p0 $0x100  }
0x9: {  	[tilespmem:s3], [sflag:$0x1] =	stream.linear.gather @!p0 [hbm4b:s2+s5], $0xA0, $0x38;
	[tilespmem:$0x200] =	vst v63  }
0xa: {  	s2 =	simm.s32 @!p0 $0x1  }
0xb: {  	_ =	swait.ge @!p0 [sflag:s2], $0xA0  }
0xc: {  	[sflag:s2] =	ssyncset.done @!p0 $0x0  }
0xd: {  	[sflag:s2] =	ssyncadd.s32 @!p0 $0xFFFFFF60  }
0xe: {  	_ =	swait.ge @!p0 [sflag:s2], $0xA0  }
0xf: {  	[sflag:s2] =	ssyncset.done @!p0 $0x0  }
0x10: {  	[sflag:s2] =	ssyncadd.s32 @!p0 $0xFFFFFF60  }
0x11: {  	v0 =	vld @!p0 [tilespmem:$0x0]  }
0x12: {  	v1 =	vld @!p0 [tilespmem:$0x100]  }
0x13: {  	v2 =	vld @!p0 [tilespmem:$0x10]  }
0x14: {  	v3 =	vld @!p0 [tilespmem:$0x110]  }
0x15: {  	v4 =	vld @!p0 [tilespmem:$0x20]  }
0x16: {  	v5 =	vld @!p0 [tilespmem:$0x120]  }
0x17: {  	v6 =	vld @!p0 [tilespmem:$0x30]  }
0x18: {  	v7 =	vld @!p0 [tilespmem:$0x130]  }
0x19: {  	v8 =	vld @!p0 [tilespmem:$0x40]  }
0x1a: {  	v9 =	vld @!p0 [tilespmem:$0x140]  }
0x1b: {  	v10 =	vld @!p0 [tilespmem:$0x50]  }
0x1c: {  	v11 =	vld @!p0 [tilespmem:$0x150]  }
0x1d: {  	v12 =	vld @!p0 [tilespmem:$0x60]  }
0x1e: {  	v13 =	vld @!p0 [tilespmem:$0x160]  }
0x1f: {  	v14 =	vld @!p0 [tilespmem:$0x70]  }
0x20: {  	v0 =	vadd.f32 @!p0 v1, v0;
	v1 =	vld @!p0 [tilespmem:$0x170]  }
0x21: {  	v2 =	vadd.f32 @!p0 v3, v2;
	v3 =	vld @!p0 [tilespmem:$0x80]  }
0x22: {  	[tilespmem:$0x0] =	vst @!p0 v0;
	v0 =	vadd.f32 @!p0 v5, v4;
	v5 =	vld @!p0 [tilespmem:$0x90]  }
0x23: {  	[tilespmem:$0x10] =	vst @!p0 v2;
	v2 =	vadd.f32 @!p0 v7, v6;
	v6 =	vld @!p0 [tilespmem:$0x190]  }
0x24: {  	v4 =	vld @!p0 [tilespmem:$0x180];
	[tilespmem:$0x20] =	vst @!p0 v0;
	v0 =	vadd.f32 @!p0 v9, v8  }
0x25: {  	[tilespmem:$0x30] =	vst @!p0 v2;
	v2 =	vadd.f32 @!p0 v11, v10  }
0x26: {  	v1 =	vadd.f32 @!p0 v1, v14;
	[tilespmem:$0x40] =	vst @!p0 v0  }
0x27: {  	v0 =	vadd.f32 @!p0 v13, v12;
	[tilespmem:$0x50] =	vst @!p0 v2  }
0x28: {  	[tilespmem:$0x70] =	vst @!p0 v1;
	v1 =	vadd.f32 @!p0 v6, v5  }
0x29: {  	[tilespmem:$0x60] =	vst @!p0 v0;
	v0 =	vadd.f32 @!p0 v4, v3  }
0x2a: {  	[tilespmem:$0x90] =	vst @!p0 v1  }
0x2b: {  	s2 =	sadd.s32 @!p0 s4, s6;
	[tilespmem:$0x80] =	vst @!p0 v0  }
0x2c: {  	[hbm4b:s2+s5] =	stream.linear.scatter @!p0 [tilespmem:s5], [sflag:$0x2], $0xA0, $0x38;
	[tilespmem:$0x200] =	vst v63  }
0x2d: {  	s2 =	simm.s32 @!p0 $0x2  }
0x2e: {  	_ =	swait.ge @!p0 [sflag:s2], $0xA0  }
0x2f: {  	[sflag:s2] =	ssyncset.done @!p0 $0x0  }
0x30: {  	[sflag:s2] =	ssyncadd.s32 @!p0 $0xFFFFFF60  }
0x31: {  	_ =	sfence.sel $0x180000  }
0x32: {  	[bflag:$0x0] =	sbarrier.arrive $0xFFFF  }
0x33: {  	p0 =	sne.s32 s0, $0x0;
	_ =	strace $0x90000047  }
0x34: {  	s0 =	sadd.s32 @!p0 $0x100000, s1;
	[bflag:$0x2] =	sbarrier.arrive $0xFFFF  }
0x35: {  	[sflag:s0] =	ssyncadd.tile.s32 @!p0 $0x1;
	_ =	shalt  }
.Lfunc_end2:
_tile_overlayer_lowered:
.L_overlay_start_2:
0x36: {  	(tag) =	ssettag $0x2  }
0x37: {  	s0 =	rddreg [dreg:$0x0];
	s2 =	stileid.u32  }
0x38: {  	s1 =	rddreg [dreg:$0x1];
	p0 =	sne.s32 s2, $0x0  }
0x39: {  	s3 =	rddreg [dreg:$0x2];
	[bflag:$0x3] =	sbarrier.arrive $0xFFFF;
	s2 =	simm.s32 @!p0 $0x1C02  }
0x3a: {  	[timem:s3], [sflag:s2] =	dma.local @!p0 [hbm:s0], s1  }
0x3b: {  	s0 =	simm.s32 @!p0 $0x2  }
0x3c: {  	_ =	swait.ge @!p0 [sflag:s0], s1  }
0x3d: {  	s1 =	ssub.s32 @!p0 $0x0, s1;
	[sflag:s0] =	ssyncset.done @!p0 $0x0  }
0x3e: {  	[sflag:s0] =	ssyncadd.s32 @!p0 s1  }
0x3f: {  	[bflag:$0x3] =	sbarrier.arrive $0xFFFF  }
0x40: {  	_ =	shalt  }

</sc_bundles>
